<compile_context>
chip_gen: v7x
topology: tpu7x:2x2x1
jax: 0.10.2.dev20260603
libtpu: 0.0.44.dev20260713+nightly
codegen_flags: <defaults>
</compile_context>

<pallas_src>
import jax
import jax.numpy as jnp
from jax import lax
from jax.experimental import pallas as pl
from jax.experimental.pallas import tpu as pltpu
from jax.experimental.pallas import tpu_sc as plsc

_B, _N, _K, _NUM_PAIR = 4, 256, 128, 512
_M = _B * _N * _N
_STD_WIDTH = 1.0

_NC, _NS, _L = 2, 16, 16
_NW = _NC * _NS
_CHUNK = _M // _NW
_G = 128


def _sc_gather_body(x_hbm, idx_hbm, tbl_hbm, out_hbm,
                    tbl_v, idx_v, x_v, xt_v):
    wid = lax.axis_index("s") * _NC + lax.axis_index("c")
    base = wid * _CHUNK
    pltpu.sync_copy(tbl_hbm, tbl_v)
    pltpu.sync_copy(idx_hbm.at[pl.ds(base, _CHUNK)], idx_v)
    pltpu.sync_copy(x_hbm.at[pl.ds(base, _CHUNK)], x_v)

    @plsc.parallel_loop(0, _CHUNK // _L, unroll=8)
    def body(i):
        sl = pl.ds(i * _L, _L)
        idx = idx_v[sl]
        xv = x_v[sl]
        mv = plsc.load_gather(tbl_v, [idx])
        bv = plsc.load_gather(tbl_v, [idx + _NUM_PAIR])
        r = i // (_K // _L)
        c = (i % (_K // _L)) * _L
        xt_v[r, pl.ds(c, _L)] = jnp.abs(mv) * xv + bv

    pltpu.sync_copy(xt_v, out_hbm.at[pl.ds(wid * (_CHUNK // _K), _CHUNK // _K), :])


def _sc_gather(xf, idx, tbl):
    mesh = plsc.VectorSubcoreMesh(core_axis_name="c", subcore_axis_name="s")
    fn = pl.kernel(
        _sc_gather_body,
        mesh=mesh,
        out_type=jax.ShapeDtypeStruct((_M // _K, _K), jnp.float32),
        scratch_types=[
            pltpu.VMEM((2 * _NUM_PAIR,), jnp.float32),
            pltpu.VMEM((_CHUNK,), jnp.int32),
            pltpu.VMEM((_CHUNK,), jnp.float32),
            pltpu.VMEM((_CHUNK // _K, _K), jnp.float32),
        ],
        compiler_params=pltpu.CompilerParams(needs_layout_passes=False),
    )
    return fn(xf, idx, tbl)


def _tc_expand_body(mean_ref, xt_ref, out_ref):
    log2e = 1.4426950408889634
    std = (mean_ref[0, 0, 1] - mean_ref[0, 0, 0]) * _STD_WIDTH
    neg2 = (-0.5 / (std * std)) * log2e
    c2 = -jnp.log(((2.0 * 3.14159) ** 0.5) * std) * log2e
    col = xt_ref[:, :][:, :, None]
    d = col - mean_ref[:, :, :]
    out_ref[:, :, :] = jnp.exp2((neg2 * d) * d + c2)


def _tc_expand(xt_flat, mean, interpret=False):
    return pl.pallas_call(
        _tc_expand_body,
        grid=(_M // (_G * _K),),
        in_specs=[
            pl.BlockSpec((1, 1, _K), lambda i: (0, 0, 0)),
            pl.BlockSpec((_G, _K), lambda i: (i, 0)),
        ],
        out_specs=pl.BlockSpec((_G, _K, _K), lambda i: (i, 0, 0)),
        out_shape=jax.ShapeDtypeStruct((_M // _K, _K, _K), jnp.float32),
        interpret=interpret,
    )(mean.reshape(1, 1, _K), xt_flat)


def kernel(x, atom_pair, mul_weight, bias_weight, mean):
    xf = x.reshape(_M)
    idx = atom_pair.reshape(_M).astype(jnp.int32)
    tbl = jnp.concatenate([mul_weight.reshape(_NUM_PAIR),
                           bias_weight.reshape(_NUM_PAIR)])
    xt = _sc_gather(xf, idx, tbl)
    out = _tc_expand(xt, mean)
    return out.reshape(_B, _N, _N, _K)

# --- scband reference (transcript-rebuilt; emitter-appended) ---
"""Pipeline reference for scband-gaussian-kernel-22067541966980 (READ-ONLY COPY).

The authoritative reference and input builder live on the scoring server;
editing this copy changes nothing except your own understanding.
"""

import jax, jax.numpy as jnp
import numpy as np

K = 128
NUM_PAIR = 512
STD_WIDTH = 1.0
START = 0.0
STOP = 9.0


def setup_inputs(seed: int = 0) -> dict:
    key = jax.random.key(seed)
    k1, k2, k3, k4 = jax.random.split(key, 4)
    B, N = 4, 256
    # pairwise distances in [0, 9)
    x = jax.random.uniform(k1, (B, N, N), dtype=jnp.float32) * 9.0
    atom_pair = jax.random.randint(k2, (B, N, N), 0, NUM_PAIR, dtype=jnp.int64)
    # parameters: torch inits mul to 1.0 and bias to 0.0; add tiny noise for non-degeneracy
    mul_weight = jnp.ones((NUM_PAIR, 1), dtype=jnp.float32) + 0.01 * jax.random.normal(k3, (NUM_PAIR, 1), dtype=jnp.float32)
    bias_weight = jnp.zeros((NUM_PAIR, 1), dtype=jnp.float32) + 0.01 * jax.random.normal(k4, (NUM_PAIR, 1), dtype=jnp.float32)
    mean = jnp.linspace(START, STOP, K, dtype=jnp.float32)
    return {"x": x, "atom_pair": atom_pair, "mul_weight": mul_weight, "bias_weight": bias_weight, "mean": mean}


def _gaussian(x, mean, std):
    pi = 3.14159
    a = (2 * pi) ** 0.5
    return jnp.exp(-0.5 * ((x - mean) / std) ** 2) / (a * std)


def reference(x, atom_pair, mul_weight, bias_weight, mean):
    std = STD_WIDTH * (mean[1] - mean[0])
    # embedding lookups: [B,N,N,1] -> squeeze -> [B,N,N]
    mul = jnp.abs(jnp.take(mul_weight, atom_pair, axis=0)).squeeze(-1)
    bias = jnp.take(bias_weight, atom_pair, axis=0).squeeze(-1)
    xt = mul * x + bias
    # expand over K gaussian basis functions: [B,N,N,1] broadcast against mean [K]
    xt = xt[..., None]
    return _gaussian(xt.astype(jnp.float32), mean.reshape(-1), std)

if __name__ == "__main__":
    import jax
    _d = setup_inputs()
    print(jax.jit(kernel)(*tuple(_d.values())))

</pallas_src>

<mosaic_0001>
#map = affine_map<(d0, d1) -> (0)>
#map1 = affine_map<(d0, d1) -> (0, 0)>
module attributes {stable_mosaic.version = 14 : i64} {
  func.func @_sc_gather_body(%arg0: i32, %arg1: i32, %arg2: memref<262144xf32, #tpu.memory_space<hbm>>, %arg3: memref<262144xi32, #tpu.memory_space<hbm>>, %arg4: memref<1024xf32, #tpu.memory_space<hbm>>, %arg5: memref<2048x128xf32, #tpu.memory_space<hbm>>, %arg6: memref<1024xf32, #tpu.memory_space<vmem>>, %arg7: memref<8192xi32, #tpu.memory_space<vmem>>, %arg8: memref<8192xf32, #tpu.memory_space<vmem>>, %arg9: memref<64x128xf32, #tpu.memory_space<vmem>>) attributes {dimension_semantics = [#tpu.dimension_semantics<core_parallel>, #tpu.dimension_semantics<subcore_parallel>], iteration_bounds = array<i64: 2, 16>, scalar_prefetch = 0 : i64, scratch_operands = 4 : i64, tpu.core_type = #tpu.core_type<sc_vector_subcore>, window_params = [{transform_indices = #map}, {transform_indices = #map}, {transform_indices = #map}, {transform_indices = #map1}]} {
    %mul3A = arith.constant 2 : i32
    %mul3A_0 = arith.muli %arg1, %mul3A : i32
    %add3A = arith.addi %mul3A_0, %arg0 : i32
    %mul3A_1 = arith.constant 8192 : i32
    %mul3A_2 = arith.muli %add3A, %mul3A_1 : i32
    "tpu.region"() ({
      %run_scoped3A = tpu.sem_alloc : memref<!tpu.dma_semaphore, #tpu.memory_space<semaphore_mem>>
      tpu.enqueue_dma source(%arg4 : memref<1024xf32, #tpu.memory_space<hbm>>) target(%arg6 : memref<1024xf32, #tpu.memory_space<vmem>>) target_semaphore(%run_scoped3A : memref<!tpu.dma_semaphore, #tpu.memory_space<semaphore_mem>>)
      tpu.wait_dma2 semaphore(%run_scoped3A : memref<!tpu.dma_semaphore, #tpu.memory_space<semaphore_mem>>) src(%arg4 : memref<1024xf32, #tpu.memory_space<hbm>>) dst(%arg6 : memref<1024xf32, #tpu.memory_space<vmem>>)
      tpu.yield
    }) : () -> ()
    "tpu.region"() ({
      %run_scoped3A = tpu.sem_alloc : memref<!tpu.dma_semaphore, #tpu.memory_space<semaphore_mem>>
      %dma_start3A = tpu.memref_slice %arg3[%mul3A_2] : memref<262144xi32, #tpu.memory_space<hbm>> -> memref<8192xi32, #tpu.memory_space<hbm>>
      %dma_start3A_7 = tpu.memref_slice %arg3[%mul3A_2] : memref<262144xi32, #tpu.memory_space<hbm>> -> memref<8192xi32, #tpu.memory_space<hbm>>
      tpu.enqueue_dma source(%dma_start3A_7 : memref<8192xi32, #tpu.memory_space<hbm>>) target(%arg7 : memref<8192xi32, #tpu.memory_space<vmem>>) target_semaphore(%run_scoped3A : memref<!tpu.dma_semaphore, #tpu.memory_space<semaphore_mem>>)
      %dma_wait3A = tpu.memref_slice %arg3[%mul3A_2] : memref<262144xi32, #tpu.memory_space<hbm>> -> memref<8192xi32, #tpu.memory_space<hbm>>
      %dma_wait3A_8 = tpu.memref_slice %arg3[%mul3A_2] : memref<262144xi32, #tpu.memory_space<hbm>> -> memref<8192xi32, #tpu.memory_space<hbm>>
      tpu.wait_dma2 semaphore(%run_scoped3A : memref<!tpu.dma_semaphore, #tpu.memory_space<semaphore_mem>>) src(%dma_wait3A_8 : memref<8192xi32, #tpu.memory_space<hbm>>) dst(%arg7 : memref<8192xi32, #tpu.memory_space<vmem>>)
      tpu.yield
    }) : () -> ()
    "tpu.region"() ({
      %run_scoped3A = tpu.sem_alloc : memref<!tpu.dma_semaphore, #tpu.memory_space<semaphore_mem>>
      %dma_start3A = tpu.memref_slice %arg2[%mul3A_2] : memref<262144xf32, #tpu.memory_space<hbm>> -> memref<8192xf32, #tpu.memory_space<hbm>>
      %dma_start3A_7 = tpu.memref_slice %arg2[%mul3A_2] : memref<262144xf32, #tpu.memory_space<hbm>> -> memref<8192xf32, #tpu.memory_space<hbm>>
      tpu.enqueue_dma source(%dma_start3A_7 : memref<8192xf32, #tpu.memory_space<hbm>>) target(%arg8 : memref<8192xf32, #tpu.memory_space<vmem>>) target_semaphore(%run_scoped3A : memref<!tpu.dma_semaphore, #tpu.memory_space<semaphore_mem>>)
      %dma_wait3A = tpu.memref_slice %arg2[%mul3A_2] : memref<262144xf32, #tpu.memory_space<hbm>> -> memref<8192xf32, #tpu.memory_space<hbm>>
      %dma_wait3A_8 = tpu.memref_slice %arg2[%mul3A_2] : memref<262144xf32, #tpu.memory_space<hbm>> -> memref<8192xf32, #tpu.memory_space<hbm>>
      tpu.wait_dma2 semaphore(%run_scoped3A : memref<!tpu.dma_semaphore, #tpu.memory_space<semaphore_mem>>) src(%dma_wait3A_8 : memref<8192xf32, #tpu.memory_space<hbm>>) dst(%arg8 : memref<8192xf32, #tpu.memory_space<vmem>>)
      tpu.yield
    }) : () -> ()
    %parallel_loop3A = arith.constant 0 : i32
    %parallel_loop3A_3 = arith.constant 512 : i32
    %parallel_loop3A_4 = arith.constant 1 : i32
    scf.for %parallel_loop3A_7 = %parallel_loop3A to %parallel_loop3A_3 step %parallel_loop3A_4  : i32 {
      %parallel_loop3A_8 = arith.constant 16 : i32
      %parallel_loop3A_9 = arith.muli %parallel_loop3A_7, %parallel_loop3A_8 : i32
      %parallel_loop3A_10 = arith.index_cast %parallel_loop3A_9 : i32 to index
      %parallel_loop3A_11 = tpu.vector_load %arg7[%parallel_loop3A_10] {strides = array<i32>} : memref<8192xi32, #tpu.memory_space<vmem>>, vector<16xi32>,
      %parallel_loop3A_12 = arith.index_cast %parallel_loop3A_9 : i32 to index
      %parallel_loop3A_13 = tpu.vector_load %arg8[%parallel_loop3A_12] {strides = array<i32>} : memref<8192xf32, #tpu.memory_space<vmem>>, vector<16xf32>,
      %parallel_loop3A_14 = tpu.vector_load_idx %arg6[%parallel_loop3A_11] : memref<1024xf32, #tpu.memory_space<vmem>>[vector<16xi32>], vector<16xf32>,
      %parallel_loop3A_15 = arith.constant 512 : i32
      %parallel_loop3A_16 = vector.broadcast %parallel_loop3A_15 : i32 to vector<16xi32>
      %parallel_loop3A_17 = arith.addi %parallel_loop3A_11, %parallel_loop3A_16 : vector<16xi32>
      %parallel_loop3A_18 = tpu.vector_load_idx %arg6[%parallel_loop3A_17] : memref<1024xf32, #tpu.memory_space<vmem>>[vector<16xi32>], vector<16xf32>,
      %parallel_loop3A_19 = arith.constant 8 : i32
      %parallel_loop3A_20 = arith.divsi %parallel_loop3A_7, %parallel_loop3A_19 : i32
      %parallel_loop3A_21 = arith.constant 0 : i32
      %parallel_loop3A_22 = arith.cmpi sgt, %parallel_loop3A_7, %parallel_loop3A_21 : i32
      %parallel_loop3A_23 = arith.extui %parallel_loop3A_22 : i1 to i32
      %parallel_loop3A_24 = arith.constant 0 : i32
      %parallel_loop3A_25 = arith.cmpi slt, %parallel_loop3A_7, %parallel_loop3A_24 : i32
      %parallel_loop3A_26 = arith.extui %parallel_loop3A_25 : i1 to i32
      %parallel_loop3A_27 = arith.subi %parallel_loop3A_23, %parallel_loop3A_26 : i32
      %parallel_loop3A_28 = arith.constant 0 : i32
      %parallel_loop3A_29 = arith.cmpi sgt, %parallel_loop3A_19, %parallel_loop3A_28 : i32
      %parallel_loop3A_30 = arith.extui %parallel_loop3A_29 : i1 to i32
      %parallel_loop3A_31 = arith.constant 0 : i32
      %parallel_loop3A_32 = arith.cmpi slt, %parallel_loop3A_19, %parallel_loop3A_31 : i32
      %parallel_loop3A_33 = arith.extui %parallel_loop3A_32 : i1 to i32
      %parallel_loop3A_34 = arith.subi %parallel_loop3A_30, %parallel_loop3A_33 : i32
      %parallel_loop3A_35 = arith.cmpi ne, %parallel_loop3A_27, %parallel_loop3A_34 : i32
      %parallel_loop3A_36 = arith.remsi %parallel_loop3A_7, %parallel_loop3A_19 : i32
      %parallel_loop3A_37 = arith.constant 0 : i32
      %parallel_loop3A_38 = arith.cmpi ne, %parallel_loop3A_36, %parallel_loop3A_37 : i32
      %parallel_loop3A_39 = arith.andi %parallel_loop3A_35, %parallel_loop3A_38 : i1
      %parallel_loop3A_40 = arith.constant 1 : i32
      %parallel_loop3A_41 = arith.subi %parallel_loop3A_20, %parallel_loop3A_40 : i32
      %parallel_loop3A_42 = arith.select %parallel_loop3A_39, %parallel_loop3A_41, %parallel_loop3A_20 : i32
      %parallel_loop3A_43 = arith.constant 8 : i32
      %parallel_loop3A_44 = arith.constant 0 : i32
      %parallel_loop3A_45 = arith.cmpi eq, %parallel_loop3A_43, %parallel_loop3A_44 : i32
      %parallel_loop3A_46 = arith.constant 1 : i32
      %parallel_loop3A_47 = arith.select %parallel_loop3A_45, %parallel_loop3A_46, %parallel_loop3A_43 : i32
      %parallel_loop3A_48 = arith.remsi %parallel_loop3A_7, %parallel_loop3A_47 : i32
      %parallel_loop3A_49 = arith.constant 0 : i32
      %parallel_loop3A_50 = arith.cmpi ne, %parallel_loop3A_48, %parallel_loop3A_49 : i32
      %parallel_loop3A_51 = arith.constant 0 : i32
      %parallel_loop3A_52 = arith.cmpi slt, %parallel_loop3A_48, %parallel_loop3A_51 : i32
      %parallel_loop3A_53 = arith.constant 0 : i32
      %parallel_loop3A_54 = arith.cmpi slt, %parallel_loop3A_47, %parallel_loop3A_53 : i32
      %parallel_loop3A_55 = arith.xori %parallel_loop3A_52, %parallel_loop3A_54 : i1
      %parallel_loop3A_56 = arith.andi %parallel_loop3A_55, %parallel_loop3A_50 : i1
      %parallel_loop3A_57 = arith.addi %parallel_loop3A_48, %parallel_loop3A_47 : i32
      %parallel_loop3A_58 = arith.select %parallel_loop3A_56, %parallel_loop3A_57, %parallel_loop3A_48 : i32
      %parallel_loop3A_59 = arith.constant 16 : i32
      %parallel_loop3A_60 = arith.muli %parallel_loop3A_58, %parallel_loop3A_59 : i32
      %parallel_loop3A_61 = math.absf %parallel_loop3A_14 : vector<16xf32>
      %parallel_loop3A_62 = arith.mulf %parallel_loop3A_61, %parallel_loop3A_13 : vector<16xf32>
      %parallel_loop3A_63 = arith.addf %parallel_loop3A_62, %parallel_loop3A_18 : vector<16xf32>
      %parallel_loop3A_64 = arith.index_cast %parallel_loop3A_42 : i32 to index
      %parallel_loop3A_65 = arith.index_cast %parallel_loop3A_60 : i32 to index
      %parallel_loop3A_66 = tpu.vector_load %arg9[%parallel_loop3A_64, %parallel_loop3A_65] {strides = array<i32>} : memref<64x128xf32, #tpu.memory_space<vmem>>, vector<16xf32>,
      tpu.vector_store %arg9[%parallel_loop3A_64, %parallel_loop3A_65], %parallel_loop3A_63 {strides = array<i32>} : memref<64x128xf32, #tpu.memory_space<vmem>>, vector<16xf32>,
    } {sc.loop_unroll_factor = 8 : i64, sc.parallel_access}
    %mul3A_5 = arith.constant 64 : i32
    %mul3A_6 = arith.muli %add3A, %mul3A_5 : i32
    "tpu.region"() ({
      %run_scoped3A = tpu.sem_alloc : memref<!tpu.dma_semaphore, #tpu.memory_space<semaphore_mem>>
      %dma_start3A = arith.constant 0 : i32
      %dma_start3A_7 = tpu.memref_slice %arg5[%mul3A_6, %dma_start3A] : memref<2048x128xf32, #tpu.memory_space<hbm>> -> memref<64x128xf32, #tpu.memory_space<hbm>>
      %dma_start3A_8 = arith.constant 0 : i32
      %dma_start3A_9 = tpu.memref_slice %arg5[%mul3A_6, %dma_start3A_8] : memref<2048x128xf32, #tpu.memory_space<hbm>> -> memref<64x128xf32, #tpu.memory_space<hbm>>
      tpu.enqueue_dma source(%arg9 : memref<64x128xf32, #tpu.memory_space<vmem>>) target(%dma_start3A_9 : memref<64x128xf32, #tpu.memory_space<hbm>>) target_semaphore(%run_scoped3A : memref<!tpu.dma_semaphore, #tpu.memory_space<semaphore_mem>>)
      %dma_wait3A = arith.constant 0 : i32
      %dma_wait3A_10 = tpu.memref_slice %arg5[%mul3A_6, %dma_wait3A] : memref<2048x128xf32, #tpu.memory_space<hbm>> -> memref<64x128xf32, #tpu.memory_space<hbm>>
      %dma_wait3A_11 = arith.constant 0 : i32
      %dma_wait3A_12 = tpu.memref_slice %arg5[%mul3A_6, %dma_wait3A_11] : memref<2048x128xf32, #tpu.memory_space<hbm>> -> memref<64x128xf32, #tpu.memory_space<hbm>>
      tpu.wait_dma2 semaphore(%run_scoped3A : memref<!tpu.dma_semaphore, #tpu.memory_space<semaphore_mem>>) src(%arg9 : memref<64x128xf32, #tpu.memory_space<vmem>>) dst(%dma_wait3A_12 : memref<64x128xf32, #tpu.memory_space<hbm>>)
      tpu.yield
    }) : () -> ()
    return
  }
}

module attributes {stable_mosaic.version = 14 : i64} {
  func.func @_tc_expand_body(%arg0: i32, %arg1: memref<1x1x128xf32, #tpu.memory_space<vmem>>, %arg2: memref<128x128xf32, #tpu.memory_space<vmem>>, %arg3: memref<128x128x128xf32, #tpu.memory_space<vmem>>) attributes {dimension_semantics = [#tpu.dimension_semantics<arbitrary>], iteration_bounds = array<i64: 16>, scalar_prefetch = 0 : i64, scratch_operands = 0 : i64, tpu.core_type = #tpu.core_type<tc>, window_params = [{pipeline_mode = #tpu.pipeline_mode<synchronous>, transform_indices = @transform_0, window_bounds = array<i64: 1, 1, 128>}, {transform_indices = @transform_1, window_bounds = array<i64: 128, 128>}, {transform_indices = @transform_2, window_bounds = array<i64: 128, 128, 128>}]} {
    %get3A = arith.constant 0 : index
    %get3A_0 = arith.constant 0 : index
    %get3A_1 = arith.constant 1 : index
    %get3A_2 = vector.load %arg1[%get3A, %get3A_0, %get3A_1] : memref<1x1x128xf32, #tpu.memory_space<vmem>>, vector<1x1x1xf32>
    %get3A_3 = vector.extract %get3A_2[0, 0, 0] : f32 from vector<1x1x1xf32>
    %get3A_4 = arith.constant 0 : index
    %get3A_5 = arith.constant 0 : index
    %get3A_6 = arith.constant 0 : index
    %get3A_7 = vector.load %arg1[%get3A_4, %get3A_5, %get3A_6] : memref<1x1x128xf32, #tpu.memory_space<vmem>>, vector<1x1x1xf32>
    %get3A_8 = vector.extract %get3A_7[0, 0, 0] : f32 from vector<1x1x1xf32>
    %sub3A = arith.subf %get3A_3, %get3A_8 : f32
    %mul3A = arith.constant 1.000000e+00 : f32
    %mul3A_9 = arith.mulf %sub3A, %mul3A : f32
    %mul3A_10 = arith.mulf %mul3A_9, %mul3A_9 : f32
    %div3A = arith.constant -5.000000e-01 : f32
    %div3A_11 = arith.divf %div3A, %mul3A_10 : f32
    %mul3A_12 = arith.constant 1.44269502 : f32
    %mul3A_13 = arith.mulf %div3A_11, %mul3A_12 : f32
    %mul3A_14 = arith.constant 2.50662732 : f32
    %mul3A_15 = arith.mulf %mul3A_14, %mul3A_9 : f32
    %log3A = math.log %mul3A_15 : f32
    %neg3A = arith.constant 0.000000e+00 : f32
    %neg3A_16 = arith.subf %neg3A, %log3A : f32
    %mul3A_17 = arith.constant 1.44269502 : f32
    %mul3A_18 = arith.mulf %neg3A_16, %mul3A_17 : f32
    %get3A_19 = arith.constant 0 : index
    %get3A_20 = arith.constant 0 : index
    %get3A_21 = vector.load %arg2[%get3A_19, %get3A_20] : memref<128x128xf32, #tpu.memory_space<vmem>>, vector<128x128xf32>
    %broadcast_in_dim3A = vector.shape_cast %get3A_21 : vector<128x128xf32> to vector<128x128x1xf32>
    %get3A_22 = arith.constant 0 : index
    %get3A_23 = arith.constant 0 : index
    %get3A_24 = arith.constant 0 : index
    %get3A_25 = vector.load %arg1[%get3A_22, %get3A_23, %get3A_24] : memref<1x1x128xf32, #tpu.memory_space<vmem>>, vector<1x1x128xf32>
    %sub3A_26 = vector.broadcast %broadcast_in_dim3A : vector<128x128x1xf32> to vector<128x128x128xf32>
    %sub3A_27 = vector.broadcast %get3A_25 : vector<1x1x128xf32> to vector<128x128x128xf32>
    %sub3A_28 = arith.subf %sub3A_26, %sub3A_27 : vector<128x128x128xf32>
    %mul3A_29 = vector.broadcast %mul3A_13 : f32 to vector<128x128x128xf32>
    %mul3A_30 = arith.mulf %mul3A_29, %sub3A_28 : vector<128x128x128xf32>
    %mul3A_31 = arith.mulf %mul3A_30, %sub3A_28 : vector<128x128x128xf32>
    %add3A = vector.broadcast %mul3A_18 : f32 to vector<128x128x128xf32>
    %add3A_32 = arith.addf %mul3A_31, %add3A : vector<128x128x128xf32>
    %exp23A = math.exp2 %add3A_32 : vector<128x128x128xf32>
    %swap3A = arith.constant 0 : index
    %swap3A_33 = arith.constant 0 : index
    %swap3A_34 = arith.constant 0 : index
    %swap3A_35 = vector.load %arg3[%swap3A, %swap3A_33, %swap3A_34] : memref<128x128x128xf32, #tpu.memory_space<vmem>>, vector<128x128x128xf32>
    tpu.vector_store %arg3[%swap3A, %swap3A_33, %swap3A_34], %exp23A {strides = array<i32>} : memref<128x128x128xf32, #tpu.memory_space<vmem>>, vector<128x128x128xf32>,
    return
  }
  func.func @transform_0(%arg0: i32) -> (i32, i32, i32) {
    %c0_i32 = arith.constant 0 : i32
    %c0_i32_0 = arith.constant 0 : i32
    %c0_i32_1 = arith.constant 0 : i32
    %c0_i32_2 = arith.constant 0 : i32
    return %c0_i32, %c0_i32_0, %c0_i32_1 : i32, i32, i32
  }
  func.func @transform_1(%arg0: i32) -> (i32, i32) {
    %c0_i32 = arith.constant 0 : i32
    %c0_i32_0 = arith.constant 0 : i32
    return %arg0, %c0_i32 : i32, i32
  }
  func.func @transform_2(%arg0: i32) -> (i32, i32, i32) {
    %c0_i32 = arith.constant 0 : i32
    %c0_i32_0 = arith.constant 0 : i32
    %c0_i32_1 = arith.constant 0 : i32
    return %arg0, %c0_i32, %c0_i32_0 : i32, i32, i32
  }
}

</mosaic_0001>

<sc_bundles>
// kernel: kernel.4.cloned.1.call-start
scs
__scs_entry_jumppad:
0x0: {  	(pc) =	sbr.rel $0x88, $3  }
0x1: {  	(tag) =	ssettag $0x0;
	lr =	simm.s32 $0x1  }
0x2: {  	[smem:$0x3F9C] =	sst lr;
	_ =	strace $0xD0000000  }
0x3: {  	_ = 	snop  }
0x4: {  	_ = 	snop  }
0x5: {  	_ = 	snop  }
0x6: {  	_ = 	snop  }
0x7: {  	_ = 	snop  }
__scs_overlays_trampoline_lowered:
0x8: {  	[smem:$0x3FAB] =	sst s0  }
0x9: {  	[smem:$0x3FAC] =	sst s1  }
0xa: {  	[smem:$0x3FAD] =	sst s2  }
0xb: {  	[smem:$0x3FAE] =	sst s3  }
0xc: {  	[smem:$0x3FAF] =	sst s4  }
0xd: {  	[smem:$0x3FB0] =	sst s5  }
0xe: {  	[smem:$0x3FB1] =	sst s6  }
0xf: {  	[smem:$0x3FB2] =	sst s7  }
0x10: {  	[smem:$0x3FB3] =	sst s8  }
0x11: {  	[smem:$0x3FB4] =	sst s9;
	s0 =	simm.s32 @!p0 $0x0  }
0x12: {  	s1 =	sld [smem:$0x3F9A];
	s0 =	simm.s32 @p0 $0x1  }
0x13: {  	[smem:$0x3FB5] =	sst s0;
	s0 =	simm.s32 @!p1 $0x0  }
0x14: {  	s2 =	sld [smem:$0x3F99];
	s0 =	simm.s32 @p1 $0x1  }
0x15: {  	[smem:$0x3FB6] =	sst s0;
	s0 =	simm.s32 @!p2 $0x0  }
0x16: {  	s3 =	sld [smem:$0x3FDB];
	s0 =	simm.s32 @p2 $0x1  }
0x17: {  	s4 =	simm.s32 $0x1BF5;
	[smem:$0x3FB8] =	sst s0  }
0x18: {  	s0 =	sld [smem:$0x3F9B];
	_ =	swait.ge [sflag:s4], $0x0  }
0x19: {  	s7 =	sld [smem:$0x3F9C]  }
0x1a: {  	s8 =	sadd.s32 $0xFFFFE003, lr  }
0x1b: {  	s9 =	sadd.s32 $0xFFFFFEF7, lr;
	s5 =	simm.s32 $0xFFFFFFFF;
	p2 =	slt.u32 s8, $0xFFFFF086  }
0x1c: {  	p1 =	slt.u32 s9, $0xF7A;
	s5 =	simm.s32 @!p2 $0x0  }
0x1d: {  	s5 =	simm.s32 @p1 $0x1;
	p0 =	seq.s32 s7, s2  }
0x1e: {  	s7 =	smul.u32 @!p0 $0xF7A, s2;
	p2 =	seq.s32 @!p0 s5, $0x0  }
0x1f: {  	s9 =	smul.u32 $0xF7A, s1;
	s8 =	simm.s32 @!p0 $0x1BF5;
	p2 =	por !p2, p0  }
0x20: {  	[sflag:s8] =	ssyncset.s32 @!p0 $0xFFFFF086;
	s6 =	sadd.s32 @!p0 s3, s7;
	s7 =	simm.s32 @!p0 $0x108  }
0x21: {  	s3 =	sadd.s32 s3, s9;
	s6 =	sadd.s32 @!p0 $0x88, s6;
	s7 =	simm.s32 @p2 $0x1082  }
0x22: {  	[simem:s7], [sflag:s8] =	dma.local @!p0 [hbm:s6], $0xF7A  }
0x23: {  	s9 =	sor.u32 $0xD0000000, s2;
	s6 =	simm.s32 $0x108;
	_ =	swait.ge @!p0 [sflag:s8], $0x0  }
0x24: {  	s3 =	sadd.s32 $0x88, s3;
	s6 =	simm.s32 @!p1 $0x1082;
	[sflag:s4] =	ssyncset.s32 $0xFFFFF086  }
0x25: {  	[simem:s6], [sflag:s4] =	dma.local [hbm:s3], $0xF7A  }
0x26: {  	[smem:$0x3F9C] =	sst s1;
	(tag) =	ssettag s2;
	_ =	strace s9  }
0x27: {  	s1 =	sld [smem:$0x3FAC]  }
0x28: {  	s2 =	sld [smem:$0x3FAD]  }
0x29: {  	s4 =	sld [smem:$0x3FAF]  }
0x2a: {  	p0 =	seq.s32 s5, $0x0;
	s5 =	sld [smem:$0x3FB0]  }
0x2b: {  	s6 =	sld [smem:$0x3FB1]  }
0x2c: {  	s7 =	sld [smem:$0x3FB2]  }
0x2d: {  	s3 =	simm.s32 $0x108;
	s8 =	sld [smem:$0x3FB3]  }
0x2e: {  	s3 =	simm.s32 @!p0 $0x1082;
	s9 =	sld [smem:$0x3FB4]  }
0x2f: {  	lr =	sadd.s32 s0, s3;
	s0 =	sld [smem:$0x3FAB]  }
0x30: {  	s3 =	sld [smem:$0x3FAE]  }
0x31: {  	[smem:$0x3FB7] =	sst s10  }
0x32: {  	s10 =	sld [smem:$0x3FB5];
	_ =	sdelay $0x3  }
0x33: {  	p0 =	seq.s32 s10, $0x1;
	s10 =	sld [smem:$0x3FB7];
	_ =	sdelay $0x3  }
0x34: {  	[smem:$0x3FB7] =	sst s10  }
0x35: {  	s10 =	sld [smem:$0x3FB6];
	_ =	sdelay $0x3  }
0x36: {  	p1 =	seq.s32 s10, $0x1;
	s10 =	sld [smem:$0x3FB7];
	_ =	sdelay $0x3  }
0x37: {  	[smem:$0x3FB7] =	sst s10  }
0x38: {  	s10 =	sld [smem:$0x3FB8]  }
0x39: {  	_ = 	snop;
	(pc) =	sbr.ind lr, $3  }
0x3a: {  	_ = 	snop  }
0x3b: {  	_ = 	snop  }
0x3c: {  	p2 =	seq.s32 s10, $0x1;
	s10 =	sld [smem:$0x3FB7]  }
0x3d: {  	_ =	shalt  }
0x3e: {  	_ =	shalt  }
0x3f: {  	_ =	shalt  }
0x40: {  	_ =	shalt  }
0x41: {  	_ =	shalt  }
0x42: {  	_ =	shalt  }
0x43: {  	_ =	shalt  }
0x44: {  	_ =	shalt  }
0x45: {  	_ =	shalt  }
0x46: {  	_ =	shalt  }
0x47: {  	_ =	shalt  }
0x48: {  	_ =	shalt  }
0x49: {  	_ =	shalt  }
0x4a: {  	_ =	shalt  }
0x4b: {  	_ =	shalt  }
0x4c: {  	_ =	shalt  }
0x4d: {  	_ =	shalt  }
0x4e: {  	_ =	shalt  }
0x4f: {  	_ =	shalt  }
0x50: {  	_ =	shalt  }
0x51: {  	_ =	shalt  }
0x52: {  	_ =	shalt  }
0x53: {  	_ =	shalt  }
0x54: {  	_ =	shalt  }
0x55: {  	_ =	shalt  }
0x56: {  	_ =	shalt  }
0x57: {  	_ =	shalt  }
0x58: {  	_ =	shalt  }
0x59: {  	_ =	shalt  }
0x5a: {  	_ =	shalt  }
0x5b: {  	_ =	shalt  }
0x5c: {  	_ =	shalt  }
0x5d: {  	_ =	shalt  }
0x5e: {  	_ =	shalt  }
0x5f: {  	_ =	shalt  }
0x60: {  	_ =	shalt  }
0x61: {  	_ =	shalt  }
0x62: {  	_ =	shalt  }
0x63: {  	_ =	shalt  }
0x64: {  	_ =	shalt  }
0x65: {  	_ =	shalt  }
0x66: {  	_ =	shalt  }
0x67: {  	_ =	shalt  }
0x68: {  	_ =	shalt  }
0x69: {  	_ =	shalt  }
0x6a: {  	_ =	shalt  }
0x6b: {  	_ =	shalt  }
0x6c: {  	_ =	shalt  }
0x6d: {  	_ =	shalt  }
0x6e: {  	_ =	shalt  }
0x6f: {  	_ =	shalt  }
0x70: {  	_ =	shalt  }
0x71: {  	_ =	shalt  }
0x72: {  	_ =	shalt  }
0x73: {  	_ =	shalt  }
0x74: {  	_ =	shalt  }
0x75: {  	_ =	shalt  }
0x76: {  	_ =	shalt  }
0x77: {  	_ =	shalt  }
0x78: {  	_ =	shalt  }
0x79: {  	_ =	shalt  }
0x7a: {  	_ =	shalt  }
0x7b: {  	_ =	shalt  }
0x7c: {  	_ =	shalt  }
0x7d: {  	_ =	shalt  }
0x7e: {  	_ =	shalt  }
0x7f: {  	_ =	shalt  }
0x80: {  	_ =	shalt  }
0x81: {  	_ =	shalt  }
0x82: {  	_ =	shalt  }
0x83: {  	_ =	shalt  }
0x84: {  	_ =	shalt  }
0x85: {  	_ =	shalt  }
0x86: {  	_ =	shalt  }
0x87: {  	_ =	shalt  }
.Lfunc_end0:
.L_simem_size_0:
called_computation_lowered:
.L_overlay_start_0:
0x88: {  	s2 =	sld [smem:$0x3FD9]  }
0x89: {  	s3 =	sld [smem:$0x3FFE];
	_ =	sdelay $0x1  }
0x8a: {  	s1 =	srdreg.scid  }
0x8b: {  	s0 =	sand.u32 $0x1, s1  }
0x8c: {  	s17 =	sshll.u32 s0, $0xA;
	s2 =	sadd.s32 s3, s2  }
0x8d: {  	s2 =	sadd.s32 s2, s17  }
0x8e: {  	[smem:$0x3FC3] =	sst s2  }
0x8f: {  	_ = 	snop  }
0x90: {  	s2 =	sld [smem:$0x3FD0];
	(tm) =	ssettm $0x1  }
0x91: {  	s18 =	sld [smem:$0x3FFB];
	_ =	sdelay $0x3  }
0x92: {  	_ =	strace s18  }
0x93: {  	s3 =	sld [smem:$0x3FFC];
	_ =	sdelay $0x3  }
0x94: {  	_ =	strace s3  }
0x95: {  	s3 =	sld [smem:$0x3FFD];
	_ =	sdelay $0x3  }
0x96: {  	_ =	strace s3  }
0x97: {  	_ =	strace $0x8FFFFFFF  }
0x98: {  	s19 =	sld [smem:$0x3FDB];
	_ =	sdelay $0x1  }
0x99: {  	s4 =	simm.s32 $_scs_section_size  }
0x9a: {  	s5 =	simm.s32 $_size__tile_overlayer_lowered;
	s6 =	simm.s32 $_tile_overlayer_lowered  }
0x9b: {  	s22 =	simm.s32 $0x1BFF;
	s21 =	sshll.u32 s6, $0x1;
	s3 =	sadd.s32 s4, s19  }
0x9c: {  	s7 =	simm.s32 $0x0;
	s20 =	sshll.u32 s5, $0x1;
	s5 =	sadd.s32 s21, s3  }
0x9d: {  	[timem:s7], [sflag:s22] =	dma.local [hbm:s5], s20  }
0x9e: {  	_ =	swait.ge [sflag:s22], s20  }
0x9f: {  	s4 =	ssub.s32 $0x0, s20;
	[sflag:s22] =	ssyncset.done $0x0  }
0xa0: {  	[sflag:s22] =	ssyncadd.s32 s4;
	_ =	sdelay $0x1  }
0xa1: {  	s23 =	simm.s32 $0x1B8B  }
0xa2: {  	_ =	swait.ge [sflag:s23], $0x1  }
0xa3: {  	[sflag:s23] =	ssyncset.done $0x0  }
0xa4: {  	s25 =	simm.s32 $0x1B8E;
	s24 =	sld [smem:$0x3FFE];
	[sflag:s23] =	ssyncadd.s32 $0xFFFFFFFF  }
0xa5: {  	s26 =	simm.s32 $execute0_lowered;
	[smem:$0x3FD2] =	sst s25  }
0xa6: {  	s5 =	sshll.u32 s26, $0x1;
	_ =	strace $0x80000046;
	[dreg:$0x1] =	wrdreg $0xFFFFFFFF  }
0xa7: {  	s28 =	simm.s32 $_size_execute0_lowered;
	s3 =	sadd.s32 s3, s5;
	[dreg:$0x0] =	wrdreg $0x0  }
0xa8: {  	s5 =	sshll.u32 s28, $0x1;
	[dreg:$0x2] =	wrdreg s3  }
0xa9: {  	[dreg:$0x3] =	wrdreg s5  }
0xaa: {  	[dreg:$0x4] =	wrdreg $0xC0  }
0xab: {  	_ =	task [dreg:s7], $0x5FFFF  }
0xac: {  	[dreg:$0x1] =	wrdreg $0xFFFFFFFF  }
0xad: {  	[dreg:$0x0] =	wrdreg $0x60  }
0xae: {  	[dreg:$0x2] =	wrdreg s2  }
0xaf: {  	[dreg:$0x3] =	wrdreg s24  }
0xb0: {  	[dreg:$0x4] =	wrdreg $0x9  }
0xb1: {  	_ =	task.clear_ibuf [dreg:s7], $0x5FFFF;
	_ =	strace $0x90000046  }
0xb2: {  	s29 =	simm.s32 $0x9;
	_ =	strace $0x80000048  }
0xb3: {  	_ =	swait.ge [sflag:s29], $0x1  }
0xb4: {  	[sflag:s29] =	ssyncadd.s32 $0xFFFFFFFF  }
0xb5: {  	_ =	strace $0x90000048  }
0xb6: {  	_ =	sfence  }
0xb7: {  	s30 =	sld [smem:$0x0];
	_ =	sdelay $0x2  }
0xb8: {  	s31 =	sshll.u32 s1, $0xD;
	s1 =	sshrl.u32 s1, $0x2  }
0xb9: {  	s3 =	sand.u32 $0x4000, s31;
	s1 =	sadd.s32 s1, s30  }
0xba: {  	s0 =	sor.u32 s3, s0;
	s1 =	sshll.u32 s1, $0x11  }
0xbb: {  	s0 =	sor.u32 s1, s0  }
0xbc: {  	s0 =	sadd.s32 $0x8F2B, s0  }
0xbd: {  	[sflag:s0] =	ssyncadd.remote.s32 $0x1  }
0xbe: {  	_ =	sfence.sel $0xFFFF  }
0xbf: {  	[dreg:$0x0] =	wrdreg $0xFFFFFFFF;
	(pc) =	sbr.abs _section_cstart, $3  }
0xc0: {  	[dreg:$0x1] =	wrdreg $0xFFFFFFFF  }
0xc1: {  	_ =	task.clear_ibuf [dreg:s7], $0x2FFFF;
	_ =	strace $0x9FFFFFFF  }
0xc2: {  	(tm) =	ssettm $0x7FFFFFFF  }
0xc3: {  	_ =	shalt  }
tec
execute0_lowered:
.L_overlay_start_1:
0x0: {  	(tag) =	ssettag $0x1  }
0x1: {  	s5 =	rddreg [dreg:$0x0]  }
0x2: {  	s4 =	rddreg [dreg:$0x1]  }
0x3: {  	s0 =	rddreg [dreg:$0x2];
	s2 =	simm.s32 $0x0;
	s3 =	srdreg.scid  }
0x4: {  	s1 =	stileid.u32;
	s10 =	simm.s32 $0x2400;
	s11 =	simm.s32 $0x4400  }
0x5: {  	s12 =	simm.s32 $0x0;
	[smem:$0x7FF] =	sst s2;
	s3 =	sand.u32 $0x1, s3  }
0x6: {  	s6 =	sshll.u32 s1, $0xB;
	s7 =	sshll.u32 s3, $0xA;
	s8 =	ssub.s32 $0x2, s3  }
0x7: {  	_ =	strace $0x80000047;
	s6 =	sor.u32 s7, s6;
	s31 =	sshrl.u32 s8, $0x1  }
0x8: {  	s3 =	sadd.s32 $0x8800, s4;
	s9 =	sadd.s32 s6, s4;
	s7 =	ssub.s32 s8, s31  }
0x9: {  	s5 =	sadd.s32 s5, s6;
	s8 =	simm.s32 $0x1;
	s4 =	sadd.s32 $0x800, s9  }
0xa: {  	s6 =	sadd.s32 $0x8A00, s9;
	s7 =	smax.u32 s7, $0x1;
	s9 =	simm.s32 $0x400  }
.LBB2_1:
0xb: {  	[tilespmem:s2], [sflag:$0x1] =	stream.linear.gather [hbm4b:s3+s2], $0x400, $0x38;
	[tilespmem:$0x6400] =	vst v63  }
0xc: {  	_ =	swait.ge [sflag:s8], $0x400  }
0xd: {  	[sflag:s8] =	ssyncset.done $0x0  }
0xe: {  	[sflag:s8] =	ssyncadd.s32 $0xFFFFFC00  }
0xf: {  	[tilespmem:s9], [sflag:$0x1] =	stream.linear.gather [hbm4b:s4+s2], $0x2000, $0x38;
	[tilespmem:$0x6400] =	vst v63  }
0x10: {  	_ =	swait.ge [sflag:s8], $0x2000  }
0x11: {  	[sflag:s8] =	ssyncset.done $0x0  }
0x12: {  	[sflag:s8] =	ssyncadd.s32 $0xFFFFE000  }
0x13: {  	[tilespmem:s10], [sflag:$0x1] =	stream.linear.gather [hbm4b:s5+s2], $0x2000, $0x38;
	[tilespmem:$0x6400] =	vst v63  }
0x14: {  	_ =	swait.ge [sflag:s8], $0x2000  }
0x15: {  	[sflag:s8] =	ssyncset.done $0x0  }
0x16: {  	s13 =	simm.s32 $0x440;
	[sflag:s8] =	ssyncadd.s32 $0xFFFFE000  }
0x17: {  	v0 =	vld [tilespmem:s13+$0x30]  }
0x18: {  	v1 =	vld [tilespmem:s13+$0xFFFFFFD0]  }
0x19: {  	v2 =	vld [tilespmem:s13+$0xFFFFFFE0]  }
0x1a: {  	v3 =	vld [tilespmem:s13+$0xFFFFFFF0]  }
0x1b: {  	v4 =	vld [tilespmem:s13+$0x0]  }
0x1c: {  	v5 =	vld [tilespmem:s13+$0x10]  }
0x1d: {  	v6 =	vld [tilespmem:s13+$0x20]  }
0x1e: {  	v8 =	vld [tilespmem:s13+$0xFFFFFFC0];
	s13 =	simm.s32 $0x2440  }
0x1f: {  	v10 =	vld [tilespmem:s13+$0x30]  }
0x20: {  	v17 =	vld [tilespmem:s13+$0xFFFFFFC0]  }
0x21: {  	v18 =	vld [tilespmem:s13+$0xFFFFFFD0]  }
0x22: {  	v19 =	vld [tilespmem:s13+$0xFFFFFFE0]  }
0x23: {  	v20 =	vld [tilespmem:s13+$0xFFFFFFF0]  }
0x24: {  	v21 =	vld [tilespmem:s13+$0x0]  }
0x25: {  	v23 =	vld [tilespmem:s13+$0x10]  }
0x26: {  	v24 =	vld [tilespmem:s13+$0x20]  }
0x27: {  	v7 =	vadd.s32 $0x200, v0;
	v0 =	vld.idx.msk [tilespmem:v0+s2+$0x0], $0xffff  }
0x28: {  	v9 =	vld.idx.msk [tilespmem:v1+s2+$0x0], $0xffff  }
0x29: {  	v11 =	vld.idx.msk [tilespmem:v2+s2+$0x0], $0xffff  }
0x2a: {  	v12 =	vld.idx.msk [tilespmem:v3+s2+$0x0], $0xffff  }
0x2b: {  	v14 =	vld.idx.msk [tilespmem:v8+s2+$0x0], $0xffff;
	v8 =	vadd.s32 $0x200, v8  }
0x2c: {  	v13 =	vld.idx.msk [tilespmem:v4+s2+$0x0], $0xffff;
	v1 =	vadd.s32 $0x200, v1  }
0x2d: {  	v16 =	vld.idx.msk [tilespmem:v6+s2+$0x0], $0xffff;
	v4 =	vadd.s32 $0x200, v4  }
0x2e: {  	v15 =	vld.idx.msk [tilespmem:v5+s2+$0x0], $0xffff;
	v2 =	vadd.s32 $0x200, v2  }
0x2f: {  	v22 =	vadd.s32 $0x200, v3;
	v7 =	vld.idx.msk [tilespmem:v7+s2+$0x0], $0xffff  }
0x30: {  	v25 =	vadd.s32 $0x200, v5;
	v27 =	vadd.s32 $0x200, v6;
	v0 =	vand.u32 $0x7FFFFFFF, v0;
	v26 =	vld.idx.msk [tilespmem:v8+s2+$0x0], $0xffff  }
0x31: {  	v3 =	vand.u32 $0x7FFFFFFF, v14;
	v1 =	vld.idx.msk [tilespmem:v1+s2+$0x0], $0xffff;
	v5 =	vand.u32 $0x7FFFFFFF, v9;
	v6 =	vand.u32 $0x7FFFFFFF, v11  }
0x32: {  	v8 =	vld.idx.msk [tilespmem:v4+s2+$0x0], $0xffff;
	v4 =	vand.u32 $0x7FFFFFFF, v16;
	v0 =	vmul.f32 v0, v10;
	v14 =	vmul.f32 v3, v17  }
0x33: {  	v3 =	vld.idx.msk [tilespmem:v2+s2+$0x0], $0xffff;
	v2 =	vmul.f32 v5, v18;
	v10 =	vand.u32 $0x7FFFFFFF, v13;
	v4 =	vmul.f32 v4, v24  }
0x34: {  	v5 =	vld.idx.msk [tilespmem:v22+s2+$0x0], $0xffff;
	v7 =	vadd.f32 v0, v7;
	v0 =	vmul.f32 v6, v19;
	v6 =	vand.u32 $0x7FFFFFFF, v12  }
0x35: {  	s14 =	simm.s32 $0x4440;
	v11 =	vand.u32 $0x7FFFFFFF, v15;
	v9 =	vmul.f32 v6, v20;
	v6 =	vmul.f32 v10, v21;
	v10 =	vld.idx.msk [tilespmem:v25+s2+$0x0], $0xffff  }
0x36: {  	s15 =	simm.s32 $0x0;
	s16 =	simm.s32 $0x4C0;
	[tilespmem:s14+$0x30] =	vst v7;
	v7 =	vmul.f32 v11, v23;
	v12 =	vadd.f32 v14, v26;
	v11 =	vld.idx.msk [tilespmem:v27+s2+$0x0], $0xffff  }
.LBB2_2:
0x37: {  	v13 =	vld [tilespmem:s16+$0x30];
	s15 =	sadd.s32 $0x8, s15;
	v1 =	vadd.f32 v2, v1  }
0x38: {  	v0 =	vadd.f32 v0, v3;
	v2 =	vld [tilespmem:s16+$0xFFFFFFD0];
	p0 =	slt.u32 s15, $0x1F8;
	[tilespmem:s14+$0xFFFFFFC0] =	vst v12  }
0x39: {  	v3 =	vld [tilespmem:s16+$0xFFFFFFE0];
	[tilespmem:s14+$0xFFFFFFD0] =	vst v1;
	v1 =	vadd.f32 v9, v5  }
0x3a: {  	v5 =	vld [tilespmem:s16+$0xFFFFFFF0];
	[tilespmem:s14+$0xFFFFFFE0] =	vst v0;
	v0 =	vadd.f32 v6, v8  }
0x3b: {  	v6 =	vld [tilespmem:s16+$0x0];
	[tilespmem:s14+$0xFFFFFFF0] =	vst v1;
	v1 =	vadd.f32 v7, v10  }
0x3c: {  	v7 =	vld [tilespmem:s16+$0x10];
	[tilespmem:s14+$0x0] =	vst v0;
	v0 =	vadd.f32 v4, v11  }
0x3d: {  	v9 =	vadd.s32 $0x200, v13;
	v4 =	vadd.s32 $0x200, v2;
	v8 =	vld [tilespmem:s16+$0x20];
	[tilespmem:s14+$0x10] =	vst v1  }
0x3e: {  	v1 =	vld [tilespmem:s16+$0xFFFFFFC0];
	v10 =	vadd.s32 $0x200, v3;
	[tilespmem:s14+$0x20] =	vst v0  }
0x3f: {  	v11 =	vadd.s32 $0x200, v5;
	v0 =	vld.idx.msk [tilespmem:v13+s2+$0x0], $0xffff  }
0x40: {  	s13 =	sadd.s32 $0x80, s13;
	v2 =	vld.idx.msk [tilespmem:v2+s2+$0x0], $0xffff;
	v12 =	vadd.s32 $0x200, v6  }
0x41: {  	v13 =	vadd.s32 $0x200, v7;
	v14 =	vld [tilespmem:s13+$0x30]  }
0x42: {  	v15 =	vadd.s32 $0x200, v8;
	v9 =	vld.idx.msk [tilespmem:v9+s2+$0x0], $0xffff  }
0x43: {  	v16 =	vadd.s32 $0x200, v1;
	v3 =	vld.idx.msk [tilespmem:v3+s2+$0x0], $0xffff  }
0x44: {  	v5 =	vld.idx.msk [tilespmem:v5+s2+$0x0], $0xffff  }
0x45: {  	v0 =	vand.u32 $0x7FFFFFFF, v0;
	v6 =	vld.idx.msk [tilespmem:v6+s2+$0x0], $0xffff  }
0x46: {  	v2 =	vand.u32 $0x7FFFFFFF, v2;
	v1 =	vld.idx.msk [tilespmem:v1+s2+$0x0], $0xffff;
	v0 =	vmul.f32 v0, v14  }
0x47: {  	v7 =	vld.idx.msk [tilespmem:v7+s2+$0x0], $0xffff  }
0x48: {  	v8 =	vld.idx.msk [tilespmem:v8+s2+$0x0], $0xffff;
	v0 =	vadd.f32 v0, v9  }
0x49: {  	s14 =	sadd.s32 $0x80, s14;
	v3 =	vand.u32 $0x7FFFFFFF, v3;
	v9 =	vld [tilespmem:s13+$0xFFFFFFC0]  }
0x4a: {  	v5 =	vand.u32 $0x7FFFFFFF, v5;
	v14 =	vld [tilespmem:s13+$0xFFFFFFD0];
	[tilespmem:s14+$0x30] =	vst v0  }
0x4b: {  	v6 =	vand.u32 $0x7FFFFFFF, v6;
	v0 =	vld [tilespmem:s13+$0xFFFFFFE0]  }
0x4c: {  	v1 =	vand.u32 $0x7FFFFFFF, v1;
	v17 =	vld [tilespmem:s13+$0xFFFFFFF0]  }
0x4d: {  	v7 =	vand.u32 $0x7FFFFFFF, v7;
	v18 =	vld [tilespmem:s13+$0x0]  }
0x4e: {  	v21 =	vand.u32 $0x7FFFFFFF, v8;
	v19 =	vmul.f32 v1, v9;
	v20 =	vld [tilespmem:s13+$0x10]  }
0x4f: {  	v2 =	vmul.f32 v2, v14;
	v14 =	vld [tilespmem:s13+$0x20]  }
0x50: {  	v16 =	vld.idx.msk [tilespmem:v16+s2+$0x0], $0xffff;
	v0 =	vmul.f32 v3, v0  }
0x51: {  	v1 =	vld.idx.msk [tilespmem:v4+s2+$0x0], $0xffff;
	v9 =	vmul.f32 v5, v17  }
.Ltmp0:
0x52: {  	v3 =	vld.idx.msk [tilespmem:v10+s2+$0x0], $0xffff;
	v6 =	vmul.f32 v6, v18;
	(pc) =	sbr.rel @p0 .LBB2_2-.Ltmp0, $4  }
0x53: {  	v5 =	vld.idx.msk [tilespmem:v11+s2+$0x0], $0xffff;
	v7 =	vmul.f32 v7, v20  }
0x54: {  	v8 =	vld.idx.msk [tilespmem:v12+s2+$0x0], $0xffff;
	v4 =	vmul.f32 v21, v14  }
0x55: {  	v10 =	vld.idx.msk [tilespmem:v13+s2+$0x0], $0xffff  }
0x56: {  	s16 =	sadd.s32 $0x80, s16;
	v12 =	vadd.f32 v19, v16;
	v11 =	vld.idx.msk [tilespmem:v15+s2+$0x0], $0xffff  }
0x57: {  	v1 =	vadd.f32 v2, v1  }
0x58: {  	v0 =	vadd.f32 v0, v3;
	[tilespmem:s14+$0xFFFFFFC0] =	vst v12  }
0x59: {  	v60 =	vadd.f32 v9, v5;
	[tilespmem:s14+$0xFFFFFFD0] =	vst v1  }
0x5a: {  	[tilespmem:s14+$0xFFFFFFE0] =	vst v0;
	v61 =	vadd.f32 v6, v8  }
0x5b: {  	[tilespmem:s14+$0xFFFFFFF0] =	vst v60;
	v62 =	vadd.f32 v7, v10  }
0x5c: {  	s12 =	sadd.s32 $0x1, s12;
	[tilespmem:s14+$0x0] =	vst v61;
	v63 =	vadd.f32 v4, v11  }
0x5d: {  	p0 =	sne.s32 s12, s7;
	[tilespmem:s14+$0x10] =	vst v62  }
.Ltmp1:
0x5e: {  	[tilespmem:s14+$0x20] =	vst v63;
	(pc) =	sbr.rel @p0 .LBB2_1-.Ltmp1, $4  }
0x5f: {  	[hbm4b:s6+s2] =	stream.linear.scatter [tilespmem:s11], [sflag:$0x1], $0x2000, $0x38;
	[tilespmem:$0x6400] =	vst v63  }
0x60: {  	_ =	swait.ge [sflag:s8], $0x2000  }
0x61: {  	[sflag:s8] =	ssyncset.done $0x0  }
0x62: {  	[sflag:s8] =	ssyncadd.s32 $0xFFFFE000  }
0x63: {  	_ =	sfence.sel $0x180000  }
0x64: {  	[bflag:$0x0] =	sbarrier.arrive $0xFFFF  }
0x65: {  	p0 =	sne.s32 s1, $0x0;
	_ =	strace $0x90000047  }
0x66: {  	s0 =	sadd.s32 @!p0 $0x100000, s0;
	[bflag:$0x2] =	sbarrier.arrive $0xFFFF  }
0x67: {  	[sflag:s0] =	ssyncadd.tile.s32 @!p0 $0x1;
	_ =	shalt  }
.Lfunc_end2:
_tile_overlayer_lowered:
.L_overlay_start_2:
0x68: {  	(tag) =	ssettag $0x2  }
0x69: {  	s0 =	rddreg [dreg:$0x0];
	s2 =	stileid.u32  }
0x6a: {  	s1 =	rddreg [dreg:$0x1];
	p0 =	sne.s32 s2, $0x0  }
0x6b: {  	s3 =	rddreg [dreg:$0x2];
	[bflag:$0x3] =	sbarrier.arrive $0xFFFF;
	s2 =	simm.s32 @!p0 $0x1C01  }
0x6c: {  	[timem:s3], [sflag:s2] =	dma.local @!p0 [hbm:s0], s1  }
0x6d: {  	s0 =	simm.s32 @!p0 $0x1  }
0x6e: {  	_ =	swait.ge @!p0 [sflag:s0], s1  }
0x6f: {  	s1 =	ssub.s32 @!p0 $0x0, s1;
	[sflag:s0] =	ssyncset.done @!p0 $0x0  }
0x70: {  	[sflag:s0] =	ssyncadd.s32 @!p0 s1  }
0x71: {  	[bflag:$0x3] =	sbarrier.arrive $0xFFFF  }
0x72: {  	_ =	shalt  }

</sc_bundles>
